<compile_context>
chip_gen: v7x
topology: tpu7x:2x2x1
jax: 0.10.2.dev20260603
libtpu: 0.0.44.dev20260713+nightly
codegen_flags: <defaults>
</compile_context>

<pallas_src>
import functools

import jax
import jax.numpy as jnp
from jax import lax
from jax.experimental import pallas as pl
from jax.experimental.pallas import tpu as pltpu
from jax.experimental.pallas import tpu_sc as plsc

NN = 10000
ND = 40
KK = 20
AL = 3.0
ROW_BLK = 80
ONE_BITS = 0x3F800000


def _prep_body(e1, e2, w1, b1, w2, b2, nv1, nv2):
    dn = (((1,), (1,)), ((), ()))
    x1 = lax.dot_general(e1[...], w1[...], dn, preferred_element_type=jnp.float32)
    nv1[...] = jnp.tanh(AL * (x1 + b1[...]))
    x2 = lax.dot_general(e2[...], w2[...], dn, preferred_element_type=jnp.float32)
    nv2[...] = jnp.tanh(AL * (x2 + b2[...]))


def _rotl(x, d):
    return lax.shift_left(x, jnp.int32(d)) | lax.shift_right_logical(
        x, jnp.int32(32 - d))


def _noise_bits(flat):
    ks0 = jnp.int32(0)
    ks1 = jnp.int32(1234)
    ks2 = ks0 ^ ks1 ^ jnp.int32(0x1BD11BDA)
    rot_a = (13, 15, 26, 6)
    rot_b = (17, 29, 16, 24)

    def rounds(x0, x1, rots):
        for rr in rots:
            x0 = x0 + x1
            x1 = x0 ^ _rotl(x1, rr)
        return x0, x1

    x0 = jnp.zeros_like(flat) + ks0
    x1 = flat + ks1
    x0, x1 = rounds(x0, x1, rot_a)
    x0 = x0 + ks1
    x1 = x1 + (ks2 + jnp.int32(1))
    x0, x1 = rounds(x0, x1, rot_b)
    x0 = x0 + ks2
    x1 = x1 + (ks0 + jnp.int32(2))
    x0, x1 = rounds(x0, x1, rot_a)
    x0 = x0 + ks0
    x1 = x1 + (ks1 + jnp.int32(3))
    x0, x1 = rounds(x0, x1, rot_b)
    x0 = x0 + ks1
    x1 = x1 + (ks2 + jnp.int32(4))
    x0, x1 = rounds(x0, x1, rot_a)
    x0 = x0 + ks2
    x1 = x1 + (ks0 + jnp.int32(5))
    return x0 ^ x1


def _main_body(nv1_t, nv2_t, nv1, nv2, out):
    dn = (((1,), (1,)), ((), ()))
    a = lax.dot_general(nv1_t[...], nv2[...], dn, preferred_element_type=jnp.float32)
    b = lax.dot_general(nv2_t[...], nv1[...], dn, preferred_element_type=jnp.float32)
    adj = jnp.maximum(jnp.tanh(AL * (a - b)), 0.0)
    row0 = pl.program_id(0) * a.shape[0]
    flat = ((row0 + lax.broadcasted_iota(jnp.int32, a.shape, 0)) * NN
            + lax.broadcasted_iota(jnp.int32, a.shape, 1))
    rb = _noise_bits(flat)
    fb = lax.shift_right_logical(rb, jnp.int32(9)) | jnp.int32(0x3F800000)
    u = lax.bitcast_convert_type(fb, jnp.float32) - jnp.float32(1.0)
    v = adj + u * jnp.float32(0.01)
    bits = lax.bitcast_convert_type(v, jnp.int32)
    r = bits.shape[0]
    ncol = bits.shape[1]

    def cnt_ge(th):
        return jnp.sum((bits >= th).astype(jnp.int32), axis=1, keepdims=True)

    one = jnp.int32(ONE_BITS)
    hi0 = jnp.max(bits, axis=1, keepdims=True) + 1
    lo0 = jnp.where(cnt_ge(one) >= KK, one, 0)
    cgt0 = jnp.zeros((r, 1), jnp.int32)

    def vcond(carry):
        lo, hi, _ = carry
        return jnp.max(hi - lo) > 1

    def vstep(carry):
        lo, hi, cgt = carry
        mid = lo + ((hi - lo) >> 1)
        cnt = cnt_ge(mid)
        ge = cnt >= KK
        return (jnp.where(ge, mid, lo), jnp.where(ge, hi, mid),
                jnp.where(ge, cgt, cnt))

    t, _, c_gt = lax.while_loop(vcond, vstep, (lo0, hi0, cgt0))
    n_fill = KK - c_gt
    eq = bits == t
    col = lax.broadcasted_iota(jnp.int32, bits.shape, 1)
    ec = jnp.where(eq, col, jnp.int32(0x7FFFFFFF))

    jlo0 = jnp.full((r, 1), -1, jnp.int32)
    jhi0 = jnp.full((r, 1), ncol - 1, jnp.int32)

    def cstep(_, carry):
        jlo, jhi = carry
        mid = jlo + ((jhi - jlo) >> 1)
        cnt = jnp.sum((ec <= mid).astype(jnp.int32), axis=1, keepdims=True)
        ge = cnt >= n_fill
        return (jnp.where(ge, jlo, mid), jnp.where(ge, mid, jhi))

    _, jcut = lax.fori_loop(0, 14, cstep, (jlo0, jhi0))

    sel = (bits > t) | (ec <= jcut)
    out[...] = jnp.where(sel, adj, 0.0)


_SC_BPW = 400
_SC_NW = NN // _SC_BPW
_SC_D = 128


def _sc_gather_two(emb1, emb2, idx):
    mesh = plsc.VectorSubcoreMesh(core_axis_name="c", subcore_axis_name="s")

    @functools.partial(
        pl.kernel,
        mesh=mesh,
        out_type=(
            jax.ShapeDtypeStruct((NN, _SC_D), jnp.float32),
            jax.ShapeDtypeStruct((NN, _SC_D), jnp.float32),
        ),
        scratch_types=[
            pltpu.VMEM((_SC_BPW,), jnp.int32),
            pltpu.VMEM((_SC_BPW, _SC_D), jnp.float32),
            pltpu.VMEM((_SC_BPW, _SC_D), jnp.float32),
            pltpu.SemaphoreType.DMA,
            pltpu.SemaphoreType.DMA,
        ],
    )
    def k(e1_hbm, e2_hbm, idx_hbm, o1_hbm, o2_hbm, idx_v, r1_v, r2_v, s1, s2):
        wid = lax.axis_index("s") * 2 + lax.axis_index("c")

        @pl.when(wid < _SC_NW)
        def _():
            base = wid * _SC_BPW
            pltpu.sync_copy(idx_hbm.at[pl.ds(base, _SC_BPW)], idx_v)
            c1 = pltpu.async_copy(e1_hbm.at[idx_v], r1_v, s1)
            c2 = pltpu.async_copy(e2_hbm.at[idx_v], r2_v, s2)
            c1.wait()
            c2.wait()
            pltpu.sync_copy(r1_v, o1_hbm.at[pl.ds(base, _SC_BPW)])
            pltpu.sync_copy(r2_v, o2_hbm.at[pl.ds(base, _SC_BPW)])

    pad = ((0, 0), (0, _SC_D - ND))
    g1, g2 = k(jnp.pad(emb1, pad), jnp.pad(emb2, pad), idx)
    return g1[:, :ND], g2[:, :ND]


def kernel(idx, emb1, emb2, W1, b1, W2, b2):
    e1, e2 = _sc_gather_two(emb1, emb2, idx)
    nv1, nv2 = pl.pallas_call(
        _prep_body,
        out_shape=(
            jax.ShapeDtypeStruct((NN, ND), jnp.float32),
            jax.ShapeDtypeStruct((NN, ND), jnp.float32),
        ),
    )(e1, e2, W1, b1.reshape(1, ND), W2, b2.reshape(1, ND))

    grid = NN // ROW_BLK
    out = pl.pallas_call(
        _main_body,
        grid=(grid,),
        in_specs=[
            pl.BlockSpec((ROW_BLK, ND), lambda i: (i, 0)),
            pl.BlockSpec((ROW_BLK, ND), lambda i: (i, 0)),
            pl.BlockSpec((NN, ND), lambda i: (0, 0)),
            pl.BlockSpec((NN, ND), lambda i: (0, 0)),
        ],
        out_specs=pl.BlockSpec((ROW_BLK, NN), lambda i: (i, 0)),
        out_shape=jax.ShapeDtypeStruct((NN, NN), jnp.float32),
    )(nv1, nv2, nv1, nv2)
    return out

# --- scband reference (transcript-rebuilt; emitter-appended) ---
"""Pipeline reference for scband-graph-constructor-20143396618765 (READ-ONLY COPY).

The authoritative reference and input builder live on the scoring server;
editing this copy changes nothing except your own understanding.
"""

import jax, jax.numpy as jnp
import numpy as np

NNODES = 10000
NODE_DIM = 40
TOPK = 20
ALPHA = 3.0


def setup_inputs(seed: int = 0) -> dict:
    key = jax.random.key(seed)
    k1, k2, k3, k4, k5, k6 = jax.random.split(key, 6)
    idx = jnp.arange(NNODES, dtype=jnp.int32)
    emb1 = jax.random.normal(k1, (NNODES, NODE_DIM), dtype=jnp.float32)
    emb2 = jax.random.normal(k2, (NNODES, NODE_DIM), dtype=jnp.float32)
    bound = 1.0 / np.sqrt(NODE_DIM)
    W1 = jax.random.uniform(k3, (NODE_DIM, NODE_DIM), minval=-bound, maxval=bound, dtype=jnp.float32)
    b1 = jax.random.uniform(k4, (NODE_DIM,), minval=-bound, maxval=bound, dtype=jnp.float32)
    W2 = jax.random.uniform(k5, (NODE_DIM, NODE_DIM), minval=-bound, maxval=bound, dtype=jnp.float32)
    b2 = jax.random.uniform(k6, (NODE_DIM,), minval=-bound, maxval=bound, dtype=jnp.float32)
    return {"idx": idx, "emb1": emb1, "emb2": emb2, "W1": W1, "b1": b1, "W2": W2, "b2": b2}


def reference(idx, emb1, emb2, W1, b1, W2, b2):
    # nn.Embedding lookups
    nodevec1 = jnp.take(emb1, idx, axis=0)
    nodevec2 = jnp.take(emb2, idx, axis=0)
    # linear + tanh(alpha * .)
    nodevec1 = jnp.tanh(ALPHA * (nodevec1 @ W1.T + b1))
    nodevec2 = jnp.tanh(ALPHA * (nodevec2 @ W2.T + b2))
    a = nodevec1 @ nodevec2.T - nodevec2 @ nodevec1.T
    adj = jax.nn.relu(jnp.tanh(ALPHA * a))
    # top-k masking with small random tie-breaking noise (fixed key for determinism)
    noise = jax.random.uniform(jax.random.key(1234), adj.shape, dtype=adj.dtype) * 0.01
    _s1, t1 = jax.lax.top_k(adj + noise, TOPK)
    mask = jnp.zeros_like(adj)
    rows = jnp.arange(adj.shape[0])[:, None]
    mask = mask.at[rows, t1].set(1.0)  # s1.fill_(1) -> scatter constant 1
    adj = adj * mask
    return adj

if __name__ == "__main__":
    import jax
    _d = setup_inputs()
    print(jax.jit(kernel)(*tuple(_d.values())))

</pallas_src>

<mosaic_0001>
#map = affine_map<(d0, d1) -> (0, 0)>
#map1 = affine_map<(d0, d1) -> (0)>
module attributes {stable_mosaic.version = 14 : i64} {
  func.func @k(%arg0: i32, %arg1: i32, %arg2: memref<10000x128xf32, #tpu.memory_space<hbm>>, %arg3: memref<10000x128xf32, #tpu.memory_space<hbm>>, %arg4: memref<10000xi32, #tpu.memory_space<hbm>>, %arg5: memref<10000x128xf32, #tpu.memory_space<hbm>>, %arg6: memref<10000x128xf32, #tpu.memory_space<hbm>>, %arg7: memref<400xi32, #tpu.memory_space<vmem>>, %arg8: memref<400x128xf32, #tpu.memory_space<vmem>>, %arg9: memref<400x128xf32, #tpu.memory_space<vmem>>, %arg10: memref<!tpu.dma_semaphore, #tpu.memory_space<semaphore_mem>>, %arg11: memref<!tpu.dma_semaphore, #tpu.memory_space<semaphore_mem>>) attributes {dimension_semantics = [#tpu.dimension_semantics<core_parallel>, #tpu.dimension_semantics<subcore_parallel>], iteration_bounds = array<i64: 2, 16>, scalar_prefetch = 0 : i64, scratch_operands = 5 : i64, tpu.core_type = #tpu.core_type<sc_vector_subcore>, window_params = [{transform_indices = #map}, {transform_indices = #map}, {transform_indices = #map1}, {transform_indices = #map}, {transform_indices = #map}]} {
    %mul3A = arith.constant 2 : i32
    %mul3A_0 = arith.muli %arg1, %mul3A : i32
    %add3A = arith.addi %mul3A_0, %arg0 : i32
    %lt3A = arith.constant 25 : i32
    %lt3A_1 = arith.cmpi slt, %add3A, %lt3A : i32
    %convert_element_type3A = arith.extui %lt3A_1 : i1 to i32
    %cond3A = arith.constant 0 : i32
    %cond3A_2 = arith.cmpi ne, %convert_element_type3A, %cond3A : i32
    scf.if %cond3A_2 {
      %mul3A_3 = arith.constant 400 : i32
      %mul3A_4 = arith.muli %add3A, %mul3A_3 : i32
      "tpu.region"() ({
        %run_scoped3A = tpu.sem_alloc : memref<!tpu.dma_semaphore, #tpu.memory_space<semaphore_mem>>
        %dma_start3A_15 = tpu.memref_slice %arg4[%mul3A_4] : memref<10000xi32, #tpu.memory_space<hbm>> -> memref<400xi32, #tpu.memory_space<hbm>>
        %dma_start3A_16 = tpu.memref_slice %arg4[%mul3A_4] : memref<10000xi32, #tpu.memory_space<hbm>> -> memref<400xi32, #tpu.memory_space<hbm>>
        tpu.enqueue_dma source(%dma_start3A_16 : memref<400xi32, #tpu.memory_space<hbm>>) target(%arg7 : memref<400xi32, #tpu.memory_space<vmem>>) target_semaphore(%run_scoped3A : memref<!tpu.dma_semaphore, #tpu.memory_space<semaphore_mem>>)
        %dma_wait3A_17 = tpu.memref_slice %arg4[%mul3A_4] : memref<10000xi32, #tpu.memory_space<hbm>> -> memref<400xi32, #tpu.memory_space<hbm>>
        %dma_wait3A_18 = tpu.memref_slice %arg4[%mul3A_4] : memref<10000xi32, #tpu.memory_space<hbm>> -> memref<400xi32, #tpu.memory_space<hbm>>
        tpu.wait_dma2 semaphore(%run_scoped3A : memref<!tpu.dma_semaphore, #tpu.memory_space<semaphore_mem>>) src(%dma_wait3A_18 : memref<400xi32, #tpu.memory_space<hbm>>) dst(%arg7 : memref<400xi32, #tpu.memory_space<vmem>>)
        tpu.yield
      }) : () -> ()
      %dma_start3A = arith.constant 0 : i32
      %dma_start3A_5 = arith.constant 0 : i32
      %dma_start3A_6 = tpu.memref_slice %arg2[%dma_start3A, %dma_start3A_5] : memref<10000x128xf32, #tpu.memory_space<hbm>> -> memref<10000x128xf32, #tpu.memory_space<hbm>>
      tpu.enqueue_indirect_dma source(%dma_start3A_6 : memref<10000x128xf32, #tpu.memory_space<hbm>>) target(%arg8 : memref<400x128xf32, #tpu.memory_space<vmem>>) offsets(%arg7 : memref<400xi32, #tpu.memory_space<vmem>>) semaphore(%arg10 : memref<!tpu.dma_semaphore, #tpu.memory_space<semaphore_mem>>)
      %dma_start3A_7 = arith.constant 0 : i32
      %dma_start3A_8 = arith.constant 0 : i32
      %dma_start3A_9 = tpu.memref_slice %arg3[%dma_start3A_7, %dma_start3A_8] : memref<10000x128xf32, #tpu.memory_space<hbm>> -> memref<10000x128xf32, #tpu.memory_space<hbm>>
      tpu.enqueue_indirect_dma source(%dma_start3A_9 : memref<10000x128xf32, #tpu.memory_space<hbm>>) target(%arg9 : memref<400x128xf32, #tpu.memory_space<vmem>>) offsets(%arg7 : memref<400xi32, #tpu.memory_space<vmem>>) semaphore(%arg11 : memref<!tpu.dma_semaphore, #tpu.memory_space<semaphore_mem>>)
      %dma_wait3A = arith.constant 0 : i32
      %dma_wait3A_10 = arith.constant 0 : i32
      %dma_wait3A_11 = tpu.memref_slice %arg2[%dma_wait3A, %dma_wait3A_10] : memref<10000x128xf32, #tpu.memory_space<hbm>> -> memref<10000x128xf32, #tpu.memory_space<hbm>>
      tpu.wait_indirect_dma semaphore(%arg10 : memref<!tpu.dma_semaphore, #tpu.memory_space<semaphore_mem>>) src(%dma_wait3A_11 : memref<10000x128xf32, #tpu.memory_space<hbm>>) dst(%arg8 : memref<400x128xf32, #tpu.memory_space<vmem>>)
      %dma_wait3A_12 = arith.constant 0 : i32
      %dma_wait3A_13 = arith.constant 0 : i32
      %dma_wait3A_14 = tpu.memref_slice %arg3[%dma_wait3A_12, %dma_wait3A_13] : memref<10000x128xf32, #tpu.memory_space<hbm>> -> memref<10000x128xf32, #tpu.memory_space<hbm>>
      tpu.wait_indirect_dma semaphore(%arg11 : memref<!tpu.dma_semaphore, #tpu.memory_space<semaphore_mem>>) src(%dma_wait3A_14 : memref<10000x128xf32, #tpu.memory_space<hbm>>) dst(%arg9 : memref<400x128xf32, #tpu.memory_space<vmem>>)
      "tpu.region"() ({
        %run_scoped3A = tpu.sem_alloc : memref<!tpu.dma_semaphore, #tpu.memory_space<semaphore_mem>>
        %dma_start3A_15 = arith.constant 0 : i32
        %dma_start3A_16 = tpu.memref_slice %arg5[%mul3A_4, %dma_start3A_15] : memref<10000x128xf32, #tpu.memory_space<hbm>> -> memref<400x128xf32, #tpu.memory_space<hbm>>
        %dma_start3A_17 = arith.constant 0 : i32
        %dma_start3A_18 = tpu.memref_slice %arg5[%mul3A_4, %dma_start3A_17] : memref<10000x128xf32, #tpu.memory_space<hbm>> -> memref<400x128xf32, #tpu.memory_space<hbm>>
        tpu.enqueue_dma source(%arg8 : memref<400x128xf32, #tpu.memory_space<vmem>>) target(%dma_start3A_18 : memref<400x128xf32, #tpu.memory_space<hbm>>) target_semaphore(%run_scoped3A : memref<!tpu.dma_semaphore, #tpu.memory_space<semaphore_mem>>)
        %dma_wait3A_19 = arith.constant 0 : i32
        %dma_wait3A_20 = tpu.memref_slice %arg5[%mul3A_4, %dma_wait3A_19] : memref<10000x128xf32, #tpu.memory_space<hbm>> -> memref<400x128xf32, #tpu.memory_space<hbm>>
        %dma_wait3A_21 = arith.constant 0 : i32
        %dma_wait3A_22 = tpu.memref_slice %arg5[%mul3A_4, %dma_wait3A_21] : memref<10000x128xf32, #tpu.memory_space<hbm>> -> memref<400x128xf32, #tpu.memory_space<hbm>>
        tpu.wait_dma2 semaphore(%run_scoped3A : memref<!tpu.dma_semaphore, #tpu.memory_space<semaphore_mem>>) src(%arg8 : memref<400x128xf32, #tpu.memory_space<vmem>>) dst(%dma_wait3A_22 : memref<400x128xf32, #tpu.memory_space<hbm>>)
        tpu.yield
      }) : () -> ()
      "tpu.region"() ({
        %run_scoped3A = tpu.sem_alloc : memref<!tpu.dma_semaphore, #tpu.memory_space<semaphore_mem>>
        %dma_start3A_15 = arith.constant 0 : i32
        %dma_start3A_16 = tpu.memref_slice %arg6[%mul3A_4, %dma_start3A_15] : memref<10000x128xf32, #tpu.memory_space<hbm>> -> memref<400x128xf32, #tpu.memory_space<hbm>>
        %dma_start3A_17 = arith.constant 0 : i32
        %dma_start3A_18 = tpu.memref_slice %arg6[%mul3A_4, %dma_start3A_17] : memref<10000x128xf32, #tpu.memory_space<hbm>> -> memref<400x128xf32, #tpu.memory_space<hbm>>
        tpu.enqueue_dma source(%arg9 : memref<400x128xf32, #tpu.memory_space<vmem>>) target(%dma_start3A_18 : memref<400x128xf32, #tpu.memory_space<hbm>>) target_semaphore(%run_scoped3A : memref<!tpu.dma_semaphore, #tpu.memory_space<semaphore_mem>>)
        %dma_wait3A_19 = arith.constant 0 : i32
        %dma_wait3A_20 = tpu.memref_slice %arg6[%mul3A_4, %dma_wait3A_19] : memref<10000x128xf32, #tpu.memory_space<hbm>> -> memref<400x128xf32, #tpu.memory_space<hbm>>
        %dma_wait3A_21 = arith.constant 0 : i32
        %dma_wait3A_22 = tpu.memref_slice %arg6[%mul3A_4, %dma_wait3A_21] : memref<10000x128xf32, #tpu.memory_space<hbm>> -> memref<400x128xf32, #tpu.memory_space<hbm>>
        tpu.wait_dma2 semaphore(%run_scoped3A : memref<!tpu.dma_semaphore, #tpu.memory_space<semaphore_mem>>) src(%arg9 : memref<400x128xf32, #tpu.memory_space<vmem>>) dst(%dma_wait3A_22 : memref<400x128xf32, #tpu.memory_space<hbm>>)
        tpu.yield
      }) : () -> ()
    } else {
    }
    return
  }
}

module attributes {stable_mosaic.version = 14 : i64} {
  func.func @_prep_body(%arg0: memref<10000x40xf32, #tpu.memory_space<vmem>>, %arg1: memref<10000x40xf32, #tpu.memory_space<vmem>>, %arg2: memref<40x40xf32, #tpu.memory_space<vmem>>, %arg3: memref<1x40xf32, #tpu.memory_space<vmem>>, %arg4: memref<40x40xf32, #tpu.memory_space<vmem>>, %arg5: memref<1x40xf32, #tpu.memory_space<vmem>>, %arg6: memref<10000x40xf32, #tpu.memory_space<vmem>>, %arg7: memref<10000x40xf32, #tpu.memory_space<vmem>>) attributes {dimension_semantics = [], scalar_prefetch = 0 : i64, scratch_operands = 0 : i64, tpu.core_type = #tpu.core_type<tc>} {
    %get3A = arith.constant 0 : index
    %get3A_0 = arith.constant 0 : index
    %get3A_1 = vector.load %arg0[%get3A, %get3A_0] : memref<10000x40xf32, #tpu.memory_space<vmem>>, vector<10000x40xf32>
    %get3A_2 = arith.constant 0 : index
    %get3A_3 = arith.constant 0 : index
    %get3A_4 = vector.load %arg2[%get3A_2, %get3A_3] : memref<40x40xf32, #tpu.memory_space<vmem>>, vector<40x40xf32>
    %dot_general3A = arith.constant dense<0.000000e+00> : vector<10000x40xf32>
    %dot_general3A_5 = tpu.matmul %get3A_1, %get3A_4, %dot_general3A {dimension_numbers = #tpu.dot_dimension_numbers<[1], [1], [0], [0], [0, 0, 1, 0], [], []>, transpose_lhs_hint = false} : vector<10000x40xf32>, vector<40x40xf32>, vector<10000x40xf32> -> vector<10000x40xf32>
    %get3A_6 = arith.constant 0 : index
    %get3A_7 = arith.constant 0 : index
    %get3A_8 = vector.load %arg3[%get3A_6, %get3A_7] : memref<1x40xf32, #tpu.memory_space<vmem>>, vector<1x40xf32>
    %add3A = vector.broadcast %get3A_8 : vector<1x40xf32> to vector<10000x40xf32>
    %add3A_9 = arith.addf %dot_general3A_5, %add3A : vector<10000x40xf32>
    %mul3A = arith.constant 3.000000e+00 : f32
    %mul3A_10 = vector.broadcast %mul3A : f32 to vector<10000x40xf32>
    %mul3A_11 = arith.mulf %mul3A_10, %add3A_9 : vector<10000x40xf32>
    %tanh3A = math.tanh %mul3A_11 : vector<10000x40xf32>
    %swap3A = arith.constant 0 : index
    %swap3A_12 = arith.constant 0 : index
    %swap3A_13 = vector.load %arg6[%swap3A, %swap3A_12] : memref<10000x40xf32, #tpu.memory_space<vmem>>, vector<10000x40xf32>
    tpu.vector_store %arg6[%swap3A, %swap3A_12], %tanh3A {strides = array<i32>} : memref<10000x40xf32, #tpu.memory_space<vmem>>, vector<10000x40xf32>,
    %get3A_14 = arith.constant 0 : index
    %get3A_15 = arith.constant 0 : index
    %get3A_16 = vector.load %arg1[%get3A_14, %get3A_15] : memref<10000x40xf32, #tpu.memory_space<vmem>>, vector<10000x40xf32>
    %get3A_17 = arith.constant 0 : index
    %get3A_18 = arith.constant 0 : index
    %get3A_19 = vector.load %arg4[%get3A_17, %get3A_18] : memref<40x40xf32, #tpu.memory_space<vmem>>, vector<40x40xf32>
    %dot_general3A_20 = arith.constant dense<0.000000e+00> : vector<10000x40xf32>
    %dot_general3A_21 = tpu.matmul %get3A_16, %get3A_19, %dot_general3A_20 {dimension_numbers = #tpu.dot_dimension_numbers<[1], [1], [0], [0], [0, 0, 1, 0], [], []>, transpose_lhs_hint = false} : vector<10000x40xf32>, vector<40x40xf32>, vector<10000x40xf32> -> vector<10000x40xf32>
    %get3A_22 = arith.constant 0 : index
    %get3A_23 = arith.constant 0 : index
    %get3A_24 = vector.load %arg5[%get3A_22, %get3A_23] : memref<1x40xf32, #tpu.memory_space<vmem>>, vector<1x40xf32>
    %add3A_25 = vector.broadcast %get3A_24 : vector<1x40xf32> to vector<10000x40xf32>
    %add3A_26 = arith.addf %dot_general3A_21, %add3A_25 : vector<10000x40xf32>
    %mul3A_27 = arith.constant 3.000000e+00 : f32
    %mul3A_28 = vector.broadcast %mul3A_27 : f32 to vector<10000x40xf32>
    %mul3A_29 = arith.mulf %mul3A_28, %add3A_26 : vector<10000x40xf32>
    %tanh3A_30 = math.tanh %mul3A_29 : vector<10000x40xf32>
    %swap3A_31 = arith.constant 0 : index
    %swap3A_32 = arith.constant 0 : index
    %swap3A_33 = vector.load %arg7[%swap3A_31, %swap3A_32] : memref<10000x40xf32, #tpu.memory_space<vmem>>, vector<10000x40xf32>
    tpu.vector_store %arg7[%swap3A_31, %swap3A_32], %tanh3A_30 {strides = array<i32>} : memref<10000x40xf32, #tpu.memory_space<vmem>>, vector<10000x40xf32>,
    return
  }
}

module attributes {stable_mosaic.version = 14 : i64} {
  func.func @_main_body(%arg0: i32, %arg1: memref<80x40xf32, #tpu.memory_space<vmem>>, %arg2: memref<80x40xf32, #tpu.memory_space<vmem>>, %arg3: memref<10000x40xf32, #tpu.memory_space<vmem>>, %arg4: memref<10000x40xf32, #tpu.memory_space<vmem>>, %arg5: memref<80x10000xf32, #tpu.memory_space<vmem>>) attributes {dimension_semantics = [#tpu.dimension_semantics<arbitrary>], iteration_bounds = array<i64: 125>, scalar_prefetch = 0 : i64, scratch_operands = 0 : i64, tpu.core_type = #tpu.core_type<tc>, window_params = [{transform_indices = @transform_0, window_bounds = array<i64: 80, 40>}, {transform_indices = @transform_1, window_bounds = array<i64: 80, 40>}, {pipeline_mode = #tpu.pipeline_mode<synchronous>, transform_indices = @transform_2, window_bounds = array<i64: 10000, 40>}, {pipeline_mode = #tpu.pipeline_mode<synchronous>, transform_indices = @transform_3, window_bounds = array<i64: 10000, 40>}, {transform_indices = @transform_4, window_bounds = array<i64: 80, 10000>}]} {
    %get3A = arith.constant 0 : index
    %get3A_0 = arith.constant 0 : index
    %get3A_1 = vector.load %arg1[%get3A, %get3A_0] : memref<80x40xf32, #tpu.memory_space<vmem>>, vector<80x40xf32>
    %get3A_2 = arith.constant 0 : index
    %get3A_3 = arith.constant 0 : index
    %get3A_4 = vector.load %arg4[%get3A_2, %get3A_3] : memref<10000x40xf32, #tpu.memory_space<vmem>>, vector<10000x40xf32>
    %dot_general3A = arith.constant dense<0.000000e+00> : vector<80x10000xf32>
    %dot_general3A_5 = tpu.matmul %get3A_1, %get3A_4, %dot_general3A {dimension_numbers = #tpu.dot_dimension_numbers<[1], [1], [0], [0], [0, 0, 1, 0], [], []>, transpose_lhs_hint = false} : vector<80x40xf32>, vector<10000x40xf32>, vector<80x10000xf32> -> vector<80x10000xf32>
    %get3A_6 = arith.constant 0 : index
    %get3A_7 = arith.constant 0 : index
    %get3A_8 = vector.load %arg2[%get3A_6, %get3A_7] : memref<80x40xf32, #tpu.memory_space<vmem>>, vector<80x40xf32>
    %get3A_9 = arith.constant 0 : index
    %get3A_10 = arith.constant 0 : index
    %get3A_11 = vector.load %arg3[%get3A_9, %get3A_10] : memref<10000x40xf32, #tpu.memory_space<vmem>>, vector<10000x40xf32>
    %dot_general3A_12 = arith.constant dense<0.000000e+00> : vector<80x10000xf32>
    %dot_general3A_13 = tpu.matmul %get3A_8, %get3A_11, %dot_general3A_12 {dimension_numbers = #tpu.dot_dimension_numbers<[1], [1], [0], [0], [0, 0, 1, 0], [], []>, transpose_lhs_hint = false} : vector<80x40xf32>, vector<10000x40xf32>, vector<80x10000xf32> -> vector<80x10000xf32>
    %sub3A = arith.subf %dot_general3A_5, %dot_general3A_13 : vector<80x10000xf32>
    %mul3A = arith.constant 3.000000e+00 : f32
    %mul3A_14 = vector.broadcast %mul3A : f32 to vector<80x10000xf32>
    %mul3A_15 = arith.mulf %mul3A_14, %sub3A : vector<80x10000xf32>
    %tanh3A = math.tanh %mul3A_15 : vector<80x10000xf32>
    %max3A = arith.constant 0.000000e+00 : f32
    %max3A_16 = vector.broadcast %max3A : f32 to vector<80x10000xf32>
    %max3A_17 = arith.maximumf %tanh3A, %max3A_16 : vector<80x10000xf32>
    %mul3A_18 = arith.constant 80 : i32
    %mul3A_19 = arith.muli %arg0, %mul3A_18 : i32
    %iota3A = tpu.iota {dimensions = array<i32: 0>} : vector<80x10000xi32>
    %add3A = vector.broadcast %mul3A_19 : i32 to vector<80x10000xi32>
    %add3A_20 = arith.addi %add3A, %iota3A : vector<80x10000xi32>
    %mul3A_21 = arith.constant 10000 : i32
    %mul3A_22 = vector.broadcast %mul3A_21 : i32 to vector<80x10000xi32>
    %mul3A_23 = arith.muli %add3A_20, %mul3A_22 : vector<80x10000xi32>
    %iota3A_24 = tpu.iota {dimensions = array<i32: 1>} : vector<80x10000xi32>
    %add3A_25 = arith.addi %mul3A_23, %iota3A_24 : vector<80x10000xi32>
    %xor3A = arith.constant 0 : i32
    %xor3A_26 = arith.constant 1234 : i32
    %xor3A_27 = arith.xori %xor3A, %xor3A_26 : i32
    %xor3A_28 = arith.constant 466688986 : i32
    %xor3A_29 = arith.xori %xor3A_27, %xor3A_28 : i32
    %broadcast_in_dim3A = arith.constant 0 : i32
    %broadcast_in_dim3A_30 = vector.broadcast %broadcast_in_dim3A : i32 to vector<80x10000xi32>
    %add3A_31 = arith.constant 0 : i32
    %add3A_32 = vector.broadcast %add3A_31 : i32 to vector<80x10000xi32>
    %add3A_33 = arith.addi %broadcast_in_dim3A_30, %add3A_32 : vector<80x10000xi32>
    %add3A_34 = arith.constant 1234 : i32
    %add3A_35 = vector.broadcast %add3A_34 : i32 to vector<80x10000xi32>
    %add3A_36 = arith.addi %add3A_25, %add3A_35 : vector<80x10000xi32>
    %add3A_37 = arith.addi %add3A_33, %add3A_36 : vector<80x10000xi32>
    %shift_left3A = arith.constant 13 : i32
    %shift_left3A_38 = vector.broadcast %shift_left3A : i32 to vector<80x10000xi32>
    %shift_left3A_39 = arith.shli %add3A_36, %shift_left3A_38 : vector<80x10000xi32>
    %shift_right_logical3A = arith.constant 19 : i32
    %shift_right_logical3A_40 = vector.broadcast %shift_right_logical3A : i32 to vector<80x10000xi32>
    %shift_right_logical3A_41 = arith.shrui %add3A_36, %shift_right_logical3A_40 : vector<80x10000xi32>
    %or3A = arith.ori %shift_left3A_39, %shift_right_logical3A_41 : vector<80x10000xi32>
    %xor3A_42 = arith.xori %add3A_37, %or3A : vector<80x10000xi32>
    %add3A_43 = arith.addi %add3A_37, %xor3A_42 : vector<80x10000xi32>
    %shift_left3A_44 = arith.constant 15 : i32
    %shift_left3A_45 = vector.broadcast %shift_left3A_44 : i32 to vector<80x10000xi32>
    %shift_left3A_46 = arith.shli %xor3A_42, %shift_left3A_45 : vector<80x10000xi32>
    %shift_right_logical3A_47 = arith.constant 17 : i32
    %shift_right_logical3A_48 = vector.broadcast %shift_right_logical3A_47 : i32 to vector<80x10000xi32>
    %shift_right_logical3A_49 = arith.shrui %xor3A_42, %shift_right_logical3A_48 : vector<80x10000xi32>
    %or3A_50 = arith.ori %shift_left3A_46, %shift_right_logical3A_49 : vector<80x10000xi32>
    %xor3A_51 = arith.xori %add3A_43, %or3A_50 : vector<80x10000xi32>
    %add3A_52 = arith.addi %add3A_43, %xor3A_51 : vector<80x10000xi32>
    %shift_left3A_53 = arith.constant 26 : i32
    %shift_left3A_54 = vector.broadcast %shift_left3A_53 : i32 to vector<80x10000xi32>
    %shift_left3A_55 = arith.shli %xor3A_51, %shift_left3A_54 : vector<80x10000xi32>
    %shift_right_logical3A_56 = arith.constant 6 : i32
    %shift_right_logical3A_57 = vector.broadcast %shift_right_logical3A_56 : i32 to vector<80x10000xi32>
    %shift_right_logical3A_58 = arith.shrui %xor3A_51, %shift_right_logical3A_57 : vector<80x10000xi32>
    %or3A_59 = arith.ori %shift_left3A_55, %shift_right_logical3A_58 : vector<80x10000xi32>
    %xor3A_60 = arith.xori %add3A_52, %or3A_59 : vector<80x10000xi32>
    %add3A_61 = arith.addi %add3A_52, %xor3A_60 : vector<80x10000xi32>
    %shift_left3A_62 = arith.constant 6 : i32
    %shift_left3A_63 = vector.broadcast %shift_left3A_62 : i32 to vector<80x10000xi32>
    %shift_left3A_64 = arith.shli %xor3A_60, %shift_left3A_63 : vector<80x10000xi32>
    %shift_right_logical3A_65 = arith.constant 26 : i32
    %shift_right_logical3A_66 = vector.broadcast %shift_right_logical3A_65 : i32 to vector<80x10000xi32>
    %shift_right_logical3A_67 = arith.shrui %xor3A_60, %shift_right_logical3A_66 : vector<80x10000xi32>
    %or3A_68 = arith.ori %shift_left3A_64, %shift_right_logical3A_67 : vector<80x10000xi32>
    %xor3A_69 = arith.xori %add3A_61, %or3A_68 : vector<80x10000xi32>
    %add3A_70 = arith.constant 1234 : i32
    %add3A_71 = vector.broadcast %add3A_70 : i32 to vector<80x10000xi32>
    %add3A_72 = arith.addi %add3A_61, %add3A_71 : vector<80x10000xi32>
    %add3A_73 = arith.constant 1 : i32
    %add3A_74 = arith.addi %xor3A_29, %add3A_73 : i32
    %add3A_75 = vector.broadcast %add3A_74 : i32 to vector<80x10000xi32>
    %add3A_76 = arith.addi %xor3A_69, %add3A_75 : vector<80x10000xi32>
    %add3A_77 = arith.addi %add3A_72, %add3A_76 : vector<80x10000xi32>
    %shift_left3A_78 = arith.constant 17 : i32
    %shift_left3A_79 = vector.broadcast %shift_left3A_78 : i32 to vector<80x10000xi32>
    %shift_left3A_80 = arith.shli %add3A_76, %shift_left3A_79 : vector<80x10000xi32>
    %shift_right_logical3A_81 = arith.constant 15 : i32
    %shift_right_logical3A_82 = vector.broadcast %shift_right_logical3A_81 : i32 to vector<80x10000xi32>
    %shift_right_logical3A_83 = arith.shrui %add3A_76, %shift_right_logical3A_82 : vector<80x10000xi32>
    %or3A_84 = arith.ori %shift_left3A_80, %shift_right_logical3A_83 : vector<80x10000xi32>
    %xor3A_85 = arith.xori %add3A_77, %or3A_84 : vector<80x10000xi32>
    %add3A_86 = arith.addi %add3A_77, %xor3A_85 : vector<80x10000xi32>
    %shift_left3A_87 = arith.constant 29 : i32
    %shift_left3A_88 = vector.broadcast %shift_left3A_87 : i32 to vector<80x10000xi32>
    %shift_left3A_89 = arith.shli %xor3A_85, %shift_left3A_88 : vector<80x10000xi32>
    %shift_right_logical3A_90 = arith.constant 3 : i32
    %shift_right_logical3A_91 = vector.broadcast %shift_right_logical3A_90 : i32 to vector<80x10000xi32>
    %shift_right_logical3A_92 = arith.shrui %xor3A_85, %shift_right_logical3A_91 : vector<80x10000xi32>
    %or3A_93 = arith.ori %shift_left3A_89, %shift_right_logical3A_92 : vector<80x10000xi32>
    %xor3A_94 = arith.xori %add3A_86, %or3A_93 : vector<80x10000xi32>
    %add3A_95 = arith.addi %add3A_86, %xor3A_94 : vector<80x10000xi32>
    %shift_left3A_96 = arith.constant 16 : i32
    %shift_left3A_97 = vector.broadcast %shift_left3A_96 : i32 to vector<80x10000xi32>
    %shift_left3A_98 = arith.shli %xor3A_94, %shift_left3A_97 : vector<80x10000xi32>
    %shift_right_logical3A_99 = arith.constant 16 : i32
    %shift_right_logical3A_100 = vector.broadcast %shift_right_logical3A_99 : i32 to vector<80x10000xi32>
    %shift_right_logical3A_101 = arith.shrui %xor3A_94, %shift_right_logical3A_100 : vector<80x10000xi32>
    %or3A_102 = arith.ori %shift_left3A_98, %shift_right_logical3A_101 : vector<80x10000xi32>
    %xor3A_103 = arith.xori %add3A_95, %or3A_102 : vector<80x10000xi32>
    %add3A_104 = arith.addi %add3A_95, %xor3A_103 : vector<80x10000xi32>
    %shift_left3A_105 = arith.constant 24 : i32
    %shift_left3A_106 = vector.broadcast %shift_left3A_105 : i32 to vector<80x10000xi32>
    %shift_left3A_107 = arith.shli %xor3A_103, %shift_left3A_106 : vector<80x10000xi32>
    %shift_right_logical3A_108 = arith.constant 8 : i32
    %shift_right_logical3A_109 = vector.broadcast %shift_right_logical3A_108 : i32 to vector<80x10000xi32>
    %shift_right_logical3A_110 = arith.shrui %xor3A_103, %shift_right_logical3A_109 : vector<80x10000xi32>
    %or3A_111 = arith.ori %shift_left3A_107, %shift_right_logical3A_110 : vector<80x10000xi32>
    %xor3A_112 = arith.xori %add3A_104, %or3A_111 : vector<80x10000xi32>
    %add3A_113 = vector.broadcast %xor3A_29 : i32 to vector<80x10000xi32>
    %add3A_114 = arith.addi %add3A_104, %add3A_113 : vector<80x10000xi32>
    %add3A_115 = arith.constant 0 : i32
    %add3A_116 = arith.constant 2 : i32
    %add3A_117 = arith.addi %add3A_115, %add3A_116 : i32
    %add3A_118 = vector.broadcast %add3A_117 : i32 to vector<80x10000xi32>
    %add3A_119 = arith.addi %xor3A_112, %add3A_118 : vector<80x10000xi32>
    %add3A_120 = arith.addi %add3A_114, %add3A_119 : vector<80x10000xi32>
    %shift_left3A_121 = arith.constant 13 : i32
    %shift_left3A_122 = vector.broadcast %shift_left3A_121 : i32 to vector<80x10000xi32>
    %shift_left3A_123 = arith.shli %add3A_119, %shift_left3A_122 : vector<80x10000xi32>
    %shift_right_logical3A_124 = arith.constant 19 : i32
    %shift_right_logical3A_125 = vector.broadcast %shift_right_logical3A_124 : i32 to vector<80x10000xi32>
    %shift_right_logical3A_126 = arith.shrui %add3A_119, %shift_right_logical3A_125 : vector<80x10000xi32>
    %or3A_127 = arith.ori %shift_left3A_123, %shift_right_logical3A_126 : vector<80x10000xi32>
    %xor3A_128 = arith.xori %add3A_120, %or3A_127 : vector<80x10000xi32>
    %add3A_129 = arith.addi %add3A_120, %xor3A_128 : vector<80x10000xi32>
    %shift_left3A_130 = arith.constant 15 : i32
    %shift_left3A_131 = vector.broadcast %shift_left3A_130 : i32 to vector<80x10000xi32>
    %shift_left3A_132 = arith.shli %xor3A_128, %shift_left3A_131 : vector<80x10000xi32>
    %shift_right_logical3A_133 = arith.constant 17 : i32
    %shift_right_logical3A_134 = vector.broadcast %shift_right_logical3A_133 : i32 to vector<80x10000xi32>
    %shift_right_logical3A_135 = arith.shrui %xor3A_128, %shift_right_logical3A_134 : vector<80x10000xi32>
    %or3A_136 = arith.ori %shift_left3A_132, %shift_right_logical3A_135 : vector<80x10000xi32>
    %xor3A_137 = arith.xori %add3A_129, %or3A_136 : vector<80x10000xi32>
    %add3A_138 = arith.addi %add3A_129, %xor3A_137 : vector<80x10000xi32>
    %shift_left3A_139 = arith.constant 26 : i32
    %shift_left3A_140 = vector.broadcast %shift_left3A_139 : i32 to vector<80x10000xi32>
    %shift_left3A_141 = arith.shli %xor3A_137, %shift_left3A_140 : vector<80x10000xi32>
    %shift_right_logical3A_142 = arith.constant 6 : i32
    %shift_right_logical3A_143 = vector.broadcast %shift_right_logical3A_142 : i32 to vector<80x10000xi32>
    %shift_right_logical3A_144 = arith.shrui %xor3A_137, %shift_right_logical3A_143 : vector<80x10000xi32>
    %or3A_145 = arith.ori %shift_left3A_141, %shift_right_logical3A_144 : vector<80x10000xi32>
    %xor3A_146 = arith.xori %add3A_138, %or3A_145 : vector<80x10000xi32>
    %add3A_147 = arith.addi %add3A_138, %xor3A_146 : vector<80x10000xi32>
    %shift_left3A_148 = arith.constant 6 : i32
    %shift_left3A_149 = vector.broadcast %shift_left3A_148 : i32 to vector<80x10000xi32>
    %shift_left3A_150 = arith.shli %xor3A_146, %shift_left3A_149 : vector<80x10000xi32>
    %shift_right_logical3A_151 = arith.constant 26 : i32
    %shift_right_logical3A_152 = vector.broadcast %shift_right_logical3A_151 : i32 to vector<80x10000xi32>
    %shift_right_logical3A_153 = arith.shrui %xor3A_146, %shift_right_logical3A_152 : vector<80x10000xi32>
    %or3A_154 = arith.ori %shift_left3A_150, %shift_right_logical3A_153 : vector<80x10000xi32>
    %xor3A_155 = arith.xori %add3A_147, %or3A_154 : vector<80x10000xi32>
    %add3A_156 = arith.constant 0 : i32
    %add3A_157 = vector.broadcast %add3A_156 : i32 to vector<80x10000xi32>
    %add3A_158 = arith.addi %add3A_147, %add3A_157 : vector<80x10000xi32>
    %add3A_159 = arith.constant 1234 : i32
    %add3A_160 = arith.constant 3 : i32
    %add3A_161 = arith.addi %add3A_159, %add3A_160 : i32
    %add3A_162 = vector.broadcast %add3A_161 : i32 to vector<80x10000xi32>
    %add3A_163 = arith.addi %xor3A_155, %add3A_162 : vector<80x10000xi32>
    %add3A_164 = arith.addi %add3A_158, %add3A_163 : vector<80x10000xi32>
    %shift_left3A_165 = arith.constant 17 : i32
    %shift_left3A_166 = vector.broadcast %shift_left3A_165 : i32 to vector<80x10000xi32>
    %shift_left3A_167 = arith.shli %add3A_163, %shift_left3A_166 : vector<80x10000xi32>
    %shift_right_logical3A_168 = arith.constant 15 : i32
    %shift_right_logical3A_169 = vector.broadcast %shift_right_logical3A_168 : i32 to vector<80x10000xi32>
    %shift_right_logical3A_170 = arith.shrui %add3A_163, %shift_right_logical3A_169 : vector<80x10000xi32>
    %or3A_171 = arith.ori %shift_left3A_167, %shift_right_logical3A_170 : vector<80x10000xi32>
    %xor3A_172 = arith.xori %add3A_164, %or3A_171 : vector<80x10000xi32>
    %add3A_173 = arith.addi %add3A_164, %xor3A_172 : vector<80x10000xi32>
    %shift_left3A_174 = arith.constant 29 : i32
    %shift_left3A_175 = vector.broadcast %shift_left3A_174 : i32 to vector<80x10000xi32>
    %shift_left3A_176 = arith.shli %xor3A_172, %shift_left3A_175 : vector<80x10000xi32>
    %shift_right_logical3A_177 = arith.constant 3 : i32
    %shift_right_logical3A_178 = vector.broadcast %shift_right_logical3A_177 : i32 to vector<80x10000xi32>
    %shift_right_logical3A_179 = arith.shrui %xor3A_172, %shift_right_logical3A_178 : vector<80x10000xi32>
    %or3A_180 = arith.ori %shift_left3A_176, %shift_right_logical3A_179 : vector<80x10000xi32>
    %xor3A_181 = arith.xori %add3A_173, %or3A_180 : vector<80x10000xi32>
    %add3A_182 = arith.addi %add3A_173, %xor3A_181 : vector<80x10000xi32>
    %shift_left3A_183 = arith.constant 16 : i32
    %shift_left3A_184 = vector.broadcast %shift_left3A_183 : i32 to vector<80x10000xi32>
    %shift_left3A_185 = arith.shli %xor3A_181, %shift_left3A_184 : vector<80x10000xi32>
    %shift_right_logical3A_186 = arith.constant 16 : i32
    %shift_right_logical3A_187 = vector.broadcast %shift_right_logical3A_186 : i32 to vector<80x10000xi32>
    %shift_right_logical3A_188 = arith.shrui %xor3A_181, %shift_right_logical3A_187 : vector<80x10000xi32>
    %or3A_189 = arith.ori %shift_left3A_185, %shift_right_logical3A_188 : vector<80x10000xi32>
    %xor3A_190 = arith.xori %add3A_182, %or3A_189 : vector<80x10000xi32>
    %add3A_191 = arith.addi %add3A_182, %xor3A_190 : vector<80x10000xi32>
    %shift_left3A_192 = arith.constant 24 : i32
    %shift_left3A_193 = vector.broadcast %shift_left3A_192 : i32 to vector<80x10000xi32>
    %shift_left3A_194 = arith.shli %xor3A_190, %shift_left3A_193 : vector<80x10000xi32>
    %shift_right_logical3A_195 = arith.constant 8 : i32
    %shift_right_logical3A_196 = vector.broadcast %shift_right_logical3A_195 : i32 to vector<80x10000xi32>
    %shift_right_logical3A_197 = arith.shrui %xor3A_190, %shift_right_logical3A_196 : vector<80x10000xi32>
    %or3A_198 = arith.ori %shift_left3A_194, %shift_right_logical3A_197 : vector<80x10000xi32>
    %xor3A_199 = arith.xori %add3A_191, %or3A_198 : vector<80x10000xi32>
    %add3A_200 = arith.constant 1234 : i32
    %add3A_201 = vector.broadcast %add3A_200 : i32 to vector<80x10000xi32>
    %add3A_202 = arith.addi %add3A_191, %add3A_201 : vector<80x10000xi32>
    %add3A_203 = arith.constant 4 : i32
    %add3A_204 = arith.addi %xor3A_29, %add3A_203 : i32
    %add3A_205 = vector.broadcast %add3A_204 : i32 to vector<80x10000xi32>
    %add3A_206 = arith.addi %xor3A_199, %add3A_205 : vector<80x10000xi32>
    %add3A_207 = arith.addi %add3A_202, %add3A_206 : vector<80x10000xi32>
    %shift_left3A_208 = arith.constant 13 : i32
    %shift_left3A_209 = vector.broadcast %shift_left3A_208 : i32 to vector<80x10000xi32>
    %shift_left3A_210 = arith.shli %add3A_206, %shift_left3A_209 : vector<80x10000xi32>
    %shift_right_logical3A_211 = arith.constant 19 : i32
    %shift_right_logical3A_212 = vector.broadcast %shift_right_logical3A_211 : i32 to vector<80x10000xi32>
    %shift_right_logical3A_213 = arith.shrui %add3A_206, %shift_right_logical3A_212 : vector<80x10000xi32>
    %or3A_214 = arith.ori %shift_left3A_210, %shift_right_logical3A_213 : vector<80x10000xi32>
    %xor3A_215 = arith.xori %add3A_207, %or3A_214 : vector<80x10000xi32>
    %add3A_216 = arith.addi %add3A_207, %xor3A_215 : vector<80x10000xi32>
    %shift_left3A_217 = arith.constant 15 : i32
    %shift_left3A_218 = vector.broadcast %shift_left3A_217 : i32 to vector<80x10000xi32>
    %shift_left3A_219 = arith.shli %xor3A_215, %shift_left3A_218 : vector<80x10000xi32>
    %shift_right_logical3A_220 = arith.constant 17 : i32
    %shift_right_logical3A_221 = vector.broadcast %shift_right_logical3A_220 : i32 to vector<80x10000xi32>
    %shift_right_logical3A_222 = arith.shrui %xor3A_215, %shift_right_logical3A_221 : vector<80x10000xi32>
    %or3A_223 = arith.ori %shift_left3A_219, %shift_right_logical3A_222 : vector<80x10000xi32>
    %xor3A_224 = arith.xori %add3A_216, %or3A_223 : vector<80x10000xi32>
    %add3A_225 = arith.addi %add3A_216, %xor3A_224 : vector<80x10000xi32>
    %shift_left3A_226 = arith.constant 26 : i32
    %shift_left3A_227 = vector.broadcast %shift_left3A_226 : i32 to vector<80x10000xi32>
    %shift_left3A_228 = arith.shli %xor3A_224, %shift_left3A_227 : vector<80x10000xi32>
    %shift_right_logical3A_229 = arith.constant 6 : i32
    %shift_right_logical3A_230 = vector.broadcast %shift_right_logical3A_229 : i32 to vector<80x10000xi32>
    %shift_right_logical3A_231 = arith.shrui %xor3A_224, %shift_right_logical3A_230 : vector<80x10000xi32>
    %or3A_232 = arith.ori %shift_left3A_228, %shift_right_logical3A_231 : vector<80x10000xi32>
    %xor3A_233 = arith.xori %add3A_225, %or3A_232 : vector<80x10000xi32>
    %add3A_234 = arith.addi %add3A_225, %xor3A_233 : vector<80x10000xi32>
    %shift_left3A_235 = arith.constant 6 : i32
    %shift_left3A_236 = vector.broadcast %shift_left3A_235 : i32 to vector<80x10000xi32>
    %shift_left3A_237 = arith.shli %xor3A_233, %shift_left3A_236 : vector<80x10000xi32>
    %shift_right_logical3A_238 = arith.constant 26 : i32
    %shift_right_logical3A_239 = vector.broadcast %shift_right_logical3A_238 : i32 to vector<80x10000xi32>
    %shift_right_logical3A_240 = arith.shrui %xor3A_233, %shift_right_logical3A_239 : vector<80x10000xi32>
    %or3A_241 = arith.ori %shift_left3A_237, %shift_right_logical3A_240 : vector<80x10000xi32>
    %xor3A_242 = arith.xori %add3A_234, %or3A_241 : vector<80x10000xi32>
    %add3A_243 = vector.broadcast %xor3A_29 : i32 to vector<80x10000xi32>
    %add3A_244 = arith.addi %add3A_234, %add3A_243 : vector<80x10000xi32>
    %add3A_245 = arith.constant 0 : i32
    %add3A_246 = arith.constant 5 : i32
    %add3A_247 = arith.addi %add3A_245, %add3A_246 : i32
    %add3A_248 = vector.broadcast %add3A_247 : i32 to vector<80x10000xi32>
    %add3A_249 = arith.addi %xor3A_242, %add3A_248 : vector<80x10000xi32>
    %xor3A_250 = arith.xori %add3A_244, %add3A_249 : vector<80x10000xi32>
    %shift_right_logical3A_251 = arith.constant 9 : i32
    %shift_right_logical3A_252 = vector.broadcast %shift_right_logical3A_251 : i32 to vector<80x10000xi32>
    %shift_right_logical3A_253 = arith.shrui %xor3A_250, %shift_right_logical3A_252 : vector<80x10000xi32>
    %or3A_254 = arith.constant 1065353216 : i32
    %or3A_255 = vector.broadcast %or3A_254 : i32 to vector<80x10000xi32>
    %or3A_256 = arith.ori %shift_right_logical3A_253, %or3A_255 : vector<80x10000xi32>
    %bitcast_convert_type3A = tpu.bitcast %or3A_256 : vector<80x10000xi32> -> vector<80x10000xf32>
    %sub3A_257 = arith.constant 1.000000e+00 : f32
    %sub3A_258 = vector.broadcast %sub3A_257 : f32 to vector<80x10000xf32>
    %sub3A_259 = arith.subf %bitcast_convert_type3A, %sub3A_258 : vector<80x10000xf32>
    %mul3A_260 = arith.constant 0.00999999977 : f32
    %mul3A_261 = vector.broadcast %mul3A_260 : f32 to vector<80x10000xf32>
    %mul3A_262 = arith.mulf %sub3A_259, %mul3A_261 : vector<80x10000xf32>
    %add3A_263 = arith.addf %max3A_17, %mul3A_262 : vector<80x10000xf32>
    %bitcast_convert_type3A_264 = tpu.bitcast %add3A_263 : vector<80x10000xf32> -> vector<80x10000xi32>
    %reduce_max3A = arith.constant dense<-2147483648> : vector<80xi32>
    %reduce_max3A_265 = vector.multi_reduction <maxsi>, %bitcast_convert_type3A_264, %reduce_max3A [1] : vector<80x10000xi32> to vector<80xi32>
    %broadcast_in_dim3A_266 = vector.shape_cast %reduce_max3A_265 : vector<80xi32> to vector<80x1xi32>
    %add3A_267 = arith.constant 1 : i32
    %add3A_268 = vector.broadcast %add3A_267 : i32 to vector<80x1xi32>
    %add3A_269 = arith.addi %broadcast_in_dim3A_266, %add3A_268 : vector<80x1xi32>
    %ge3A = arith.constant 1065353216 : i32
    %ge3A_270 = vector.broadcast %ge3A : i32 to vector<80x10000xi32>
    %ge3A_271 = arith.cmpi sge, %bitcast_convert_type3A_264, %ge3A_270 : vector<80x10000xi32>
    %convert_element_type3A = arith.extui %ge3A_271 : vector<80x10000xi1> to vector<80x10000xi32>
    %reduce_sum3A = arith.constant dense<0> : vector<80xi32>
    %reduce_sum3A_272 = vector.multi_reduction <add>, %convert_element_type3A, %reduce_sum3A [1] : vector<80x10000xi32> to vector<80xi32>
    %broadcast_in_dim3A_273 = vector.shape_cast %reduce_sum3A_272 : vector<80xi32> to vector<80x1xi32>
    %ge3A_274 = arith.constant 20 : i32
    %ge3A_275 = vector.broadcast %ge3A_274 : i32 to vector<80x1xi32>
    %ge3A_276 = arith.cmpi sge, %broadcast_in_dim3A_273, %ge3A_275 : vector<80x1xi32>
    %jit3A = arith.constant 1065353216 : i32
    %jit3A_277 = arith.constant 0 : i32
    %broadcast_in_dim3A_278 = vector.broadcast %jit3A : i32 to vector<80x1xi32>
    %broadcast_in_dim3A_279 = vector.broadcast %jit3A_277 : i32 to vector<80x1xi32>
    %select_n3A = arith.select %ge3A_276, %broadcast_in_dim3A_278, %broadcast_in_dim3A_279 : vector<80x1xi1>, vector<80x1xi32>
    %broadcast_in_dim3A_280 = arith.constant 0 : i32
    %broadcast_in_dim3A_281 = vector.broadcast %broadcast_in_dim3A_280 : i32 to vector<80x1xi32>
    %while3A:3 = scf.while (%while3A_306 = %select_n3A, %while3A_307 = %add3A_269, %while3A_308 = %broadcast_in_dim3A_281) : (vector<80x1xi32>, vector<80x1xi32>, vector<80x1xi32>) -> (vector<80x1xi32>, vector<80x1xi32>, vector<80x1xi32>) {
      %sub3A_309 = arith.subi %while3A_307, %while3A_306 : vector<80x1xi32>
      %reduce_max3A_310 = vector.shape_cast %sub3A_309 : vector<80x1xi32> to vector<1x80x1xi32>
      %reduce_max3A_311 = arith.constant dense<-2147483648> : vector<1xi32>
      %reduce_max3A_312 = vector.multi_reduction <maxsi>, %reduce_max3A_310, %reduce_max3A_311 [1, 2] : vector<1x80x1xi32> to vector<1xi32>
      %reduce_max3A_313 = vector.shape_cast %reduce_max3A_312 : vector<1xi32> to vector<1x1x1xi32>
      %reduce_max3A_314 = vector.extract %reduce_max3A_313[0, 0, 0] : i32 from vector<1x1x1xi32>
      %gt3A_315 = arith.constant 1 : i32
      %gt3A_316 = arith.cmpi sgt, %reduce_max3A_314, %gt3A_315 : i32
      scf.condition(%gt3A_316) %while3A_306, %while3A_307, %while3A_308 : vector<80x1xi32>, vector<80x1xi32>, vector<80x1xi32>
    } do {
    ^bb0(%while3A_306: vector<80x1xi32>, %while3A_307: vector<80x1xi32>, %while3A_308: vector<80x1xi32>):
      %sub3A_309 = arith.subi %while3A_307, %while3A_306 : vector<80x1xi32>
      %shift_right_arithmetic3A = arith.constant 1 : i32
      %shift_right_arithmetic3A_310 = vector.broadcast %shift_right_arithmetic3A : i32 to vector<80x1xi32>
      %shift_right_arithmetic3A_311 = arith.shrsi %sub3A_309, %shift_right_arithmetic3A_310 : vector<80x1xi32>
      %add3A_312 = arith.addi %while3A_306, %shift_right_arithmetic3A_311 : vector<80x1xi32>
      %ge3A_313 = vector.broadcast %add3A_312 : vector<80x1xi32> to vector<80x10000xi32>
      %ge3A_314 = arith.cmpi sge, %bitcast_convert_type3A_264, %ge3A_313 : vector<80x10000xi32>
      %convert_element_type3A_315 = arith.extui %ge3A_314 : vector<80x10000xi1> to vector<80x10000xi32>
      %reduce_sum3A_316 = arith.constant dense<0> : vector<80xi32>
      %reduce_sum3A_317 = vector.multi_reduction <add>, %convert_element_type3A_315, %reduce_sum3A_316 [1] : vector<80x10000xi32> to vector<80xi32>
      %broadcast_in_dim3A_318 = vector.shape_cast %reduce_sum3A_317 : vector<80xi32> to vector<80x1xi32>
      %ge3A_319 = arith.constant 20 : i32
      %ge3A_320 = vector.broadcast %ge3A_319 : i32 to vector<80x1xi32>
      %ge3A_321 = arith.cmpi sge, %broadcast_in_dim3A_318, %ge3A_320 : vector<80x1xi32>
      %select_n3A_322 = arith.select %ge3A_321, %add3A_312, %while3A_306 : vector<80x1xi1>, vector<80x1xi32>
      %select_n3A_323 = arith.select %ge3A_321, %while3A_307, %add3A_312 : vector<80x1xi1>, vector<80x1xi32>
      %select_n3A_324 = arith.select %ge3A_321, %while3A_308, %broadcast_in_dim3A_318 : vector<80x1xi1>, vector<80x1xi32>
      scf.yield %select_n3A_322, %select_n3A_323, %select_n3A_324 : vector<80x1xi32>, vector<80x1xi32>, vector<80x1xi32>
    }
    %sub3A_282 = arith.constant 20 : i32
    %sub3A_283 = vector.broadcast %sub3A_282 : i32 to vector<80x1xi32>
    %sub3A_284 = arith.subi %sub3A_283, %while3A#2 : vector<80x1xi32>
    %eq3A = vector.broadcast %while3A#0 : vector<80x1xi32> to vector<80x10000xi32>
    %eq3A_285 = arith.cmpi eq, %bitcast_convert_type3A_264, %eq3A : vector<80x10000xi32>
    %iota3A_286 = tpu.iota {dimensions = array<i32: 1>} : vector<80x10000xi32>
    %jit3A_287 = arith.constant 2147483647 : i32
    %broadcast_in_dim3A_288 = vector.broadcast %jit3A_287 : i32 to vector<80x10000xi32>
    %select_n3A_289 = arith.select %eq3A_285, %iota3A_286, %broadcast_in_dim3A_288 : vector<80x10000xi1>, vector<80x10000xi32>
    %broadcast_in_dim3A_290 = arith.constant -1 : i32
    %broadcast_in_dim3A_291 = vector.broadcast %broadcast_in_dim3A_290 : i32 to vector<80x1xi32>
    %broadcast_in_dim3A_292 = arith.constant 9999 : i32
    %broadcast_in_dim3A_293 = vector.broadcast %broadcast_in_dim3A_292 : i32 to vector<80x1xi32>
    %scan3A = arith.constant 0 : i32
    %scan3A_294 = arith.constant 14 : i32
    %scan3A_295 = arith.addi %scan3A, %scan3A_294 : i32
    %scan3A_296 = arith.constant 1 : i32
    %scan3A_297:2 = scf.for %scan3A_306 = %scan3A to %scan3A_295 step %scan3A_296 iter_args(%scan3A_307 = %broadcast_in_dim3A_291, %scan3A_308 = %broadcast_in_dim3A_293) -> (vector<80x1xi32>, vector<80x1xi32>)  : i32 {
      %sub3A_309 = arith.subi %scan3A_308, %scan3A_307 : vector<80x1xi32>
      %shift_right_arithmetic3A = arith.constant 1 : i32
      %shift_right_arithmetic3A_310 = vector.broadcast %shift_right_arithmetic3A : i32 to vector<80x1xi32>
      %shift_right_arithmetic3A_311 = arith.shrsi %sub3A_309, %shift_right_arithmetic3A_310 : vector<80x1xi32>
      %add3A_312 = arith.addi %scan3A_307, %shift_right_arithmetic3A_311 : vector<80x1xi32>
      %le3A_313 = vector.broadcast %add3A_312 : vector<80x1xi32> to vector<80x10000xi32>
      %le3A_314 = arith.cmpi sle, %select_n3A_289, %le3A_313 : vector<80x10000xi32>
      %convert_element_type3A_315 = arith.extui %le3A_314 : vector<80x10000xi1> to vector<80x10000xi32>
      %reduce_sum3A_316 = arith.constant dense<0> : vector<80xi32>
      %reduce_sum3A_317 = vector.multi_reduction <add>, %convert_element_type3A_315, %reduce_sum3A_316 [1] : vector<80x10000xi32> to vector<80xi32>
      %broadcast_in_dim3A_318 = vector.shape_cast %reduce_sum3A_317 : vector<80xi32> to vector<80x1xi32>
      %ge3A_319 = arith.cmpi sge, %broadcast_in_dim3A_318, %sub3A_284 : vector<80x1xi32>
      %select_n3A_320 = arith.select %ge3A_319, %scan3A_307, %add3A_312 : vector<80x1xi1>, vector<80x1xi32>
      %select_n3A_321 = arith.select %ge3A_319, %add3A_312, %scan3A_308 : vector<80x1xi1>, vector<80x1xi32>
      scf.yield %select_n3A_320, %select_n3A_321 : vector<80x1xi32>, vector<80x1xi32>
    }
    %gt3A = vector.broadcast %while3A#0 : vector<80x1xi32> to vector<80x10000xi32>
    %gt3A_298 = arith.cmpi sgt, %bitcast_convert_type3A_264, %gt3A : vector<80x10000xi32>
    %le3A = vector.broadcast %scan3A_297#1 : vector<80x1xi32> to vector<80x10000xi32>
    %le3A_299 = arith.cmpi sle, %select_n3A_289, %le3A : vector<80x10000xi32>
    %or3A_300 = arith.ori %gt3A_298, %le3A_299 : vector<80x10000xi1>
    %jit3A_301 = arith.constant 0.000000e+00 : f32
    %broadcast_in_dim3A_302 = vector.broadcast %jit3A_301 : f32 to vector<80x10000xf32>
    %select_n3A_303 = arith.select %or3A_300, %max3A_17, %broadcast_in_dim3A_302 : vector<80x10000xi1>, vector<80x10000xf32>
    %swap3A = arith.constant 0 : index
    %swap3A_304 = arith.constant 0 : index
    %swap3A_305 = vector.load %arg5[%swap3A, %swap3A_304] : memref<80x10000xf32, #tpu.memory_space<vmem>>, vector<80x10000xf32>
    tpu.vector_store %arg5[%swap3A, %swap3A_304], %select_n3A_303 {strides = array<i32>} : memref<80x10000xf32, #tpu.memory_space<vmem>>, vector<80x10000xf32>,
    return
  }
  func.func @transform_0(%arg0: i32) -> (i32, i32) {
    %c0_i32 = arith.constant 0 : i32
    %c0_i32_0 = arith.constant 0 : i32
    return %arg0, %c0_i32 : i32, i32
  }
  func.func @transform_1(%arg0: i32) -> (i32, i32) {
    %c0_i32 = arith.constant 0 : i32
    %c0_i32_0 = arith.constant 0 : i32
    return %arg0, %c0_i32 : i32, i32
  }
  func.func @transform_2(%arg0: i32) -> (i32, i32) {
    %c0_i32 = arith.constant 0 : i32
    %c0_i32_0 = arith.constant 0 : i32
    %c0_i32_1 = arith.constant 0 : i32
    return %c0_i32, %c0_i32_0 : i32, i32
  }
  func.func @transform_3(%arg0: i32) -> (i32, i32) {
    %c0_i32 = arith.constant 0 : i32
    %c0_i32_0 = arith.constant 0 : i32
    %c0_i32_1 = arith.constant 0 : i32
    return %c0_i32, %c0_i32_0 : i32, i32
  }
  func.func @transform_4(%arg0: i32) -> (i32, i32) {
    %c0_i32 = arith.constant 0 : i32
    %c0_i32_0 = arith.constant 0 : i32
    return %arg0, %c0_i32 : i32, i32
  }
}

</mosaic_0001>

<sc_bundles>
// kernel: kernel.5.cloned.1.call-start
scs
__scs_entry_jumppad:
0x0: {  	(pc) =	sbr.rel $0x88, $3  }
0x1: {  	(tag) =	ssettag $0x0;
	lr =	simm.s32 $0x1  }
0x2: {  	[smem:$0x3F9A] =	sst lr;
	_ =	strace $0xD0000000  }
0x3: {  	_ = 	snop  }
0x4: {  	_ = 	snop  }
0x5: {  	_ = 	snop  }
0x6: {  	_ = 	snop  }
0x7: {  	_ = 	snop  }
__scs_overlays_trampoline_lowered:
0x8: {  	[smem:$0x3FA9] =	sst s0  }
0x9: {  	[smem:$0x3FAA] =	sst s1  }
0xa: {  	[smem:$0x3FAB] =	sst s2  }
0xb: {  	[smem:$0x3FAC] =	sst s3  }
0xc: {  	[smem:$0x3FAD] =	sst s4  }
0xd: {  	[smem:$0x3FAE] =	sst s5  }
0xe: {  	[smem:$0x3FAF] =	sst s6  }
0xf: {  	[smem:$0x3FB0] =	sst s7  }
0x10: {  	[smem:$0x3FB1] =	sst s8  }
0x11: {  	[smem:$0x3FB2] =	sst s9;
	s0 =	simm.s32 @!p0 $0x0  }
0x12: {  	s1 =	sld [smem:$0x3F98];
	s0 =	simm.s32 @p0 $0x1  }
0x13: {  	[smem:$0x3FB3] =	sst s0;
	s0 =	simm.s32 @!p1 $0x0  }
0x14: {  	s2 =	sld [smem:$0x3F97];
	s0 =	simm.s32 @p1 $0x1  }
0x15: {  	[smem:$0x3FB4] =	sst s0;
	s0 =	simm.s32 @!p2 $0x0  }
0x16: {  	s3 =	sld [smem:$0x3FDB];
	s0 =	simm.s32 @p2 $0x1  }
0x17: {  	s4 =	simm.s32 $0x1BF5;
	[smem:$0x3FB6] =	sst s0  }
0x18: {  	s0 =	sld [smem:$0x3F99];
	_ =	swait.ge [sflag:s4], $0x0  }
0x19: {  	s7 =	sld [smem:$0x3F9A]  }
0x1a: {  	s8 =	sadd.s32 $0xFFFFE003, lr  }
0x1b: {  	s9 =	sadd.s32 $0xFFFFFEF7, lr;
	s5 =	simm.s32 $0xFFFFFFFF;
	p2 =	slt.u32 s8, $0xFFFFF086  }
0x1c: {  	p1 =	slt.u32 s9, $0xF7A;
	s5 =	simm.s32 @!p2 $0x0  }
0x1d: {  	s5 =	simm.s32 @p1 $0x1;
	p0 =	seq.s32 s7, s2  }
0x1e: {  	s7 =	smul.u32 @!p0 $0xF7A, s2;
	p2 =	seq.s32 @!p0 s5, $0x0  }
0x1f: {  	s9 =	smul.u32 $0xF7A, s1;
	s8 =	simm.s32 @!p0 $0x1BF5;
	p2 =	por !p2, p0  }
0x20: {  	[sflag:s8] =	ssyncset.s32 @!p0 $0xFFFFF086;
	s6 =	sadd.s32 @!p0 s3, s7;
	s7 =	simm.s32 @!p0 $0x108  }
0x21: {  	s3 =	sadd.s32 s3, s9;
	s6 =	sadd.s32 @!p0 $0x88, s6;
	s7 =	simm.s32 @p2 $0x1082  }
0x22: {  	[simem:s7], [sflag:s8] =	dma.local @!p0 [hbm:s6], $0xF7A  }
0x23: {  	s9 =	sor.u32 $0xD0000000, s2;
	s6 =	simm.s32 $0x108;
	_ =	swait.ge @!p0 [sflag:s8], $0x0  }
0x24: {  	s3 =	sadd.s32 $0x88, s3;
	s6 =	simm.s32 @!p1 $0x1082;
	[sflag:s4] =	ssyncset.s32 $0xFFFFF086  }
0x25: {  	[simem:s6], [sflag:s4] =	dma.local [hbm:s3], $0xF7A  }
0x26: {  	[smem:$0x3F9A] =	sst s1;
	(tag) =	ssettag s2;
	_ =	strace s9  }
0x27: {  	s1 =	sld [smem:$0x3FAA]  }
0x28: {  	s2 =	sld [smem:$0x3FAB]  }
0x29: {  	s4 =	sld [smem:$0x3FAD]  }
0x2a: {  	p0 =	seq.s32 s5, $0x0;
	s5 =	sld [smem:$0x3FAE]  }
0x2b: {  	s6 =	sld [smem:$0x3FAF]  }
0x2c: {  	s7 =	sld [smem:$0x3FB0]  }
0x2d: {  	s3 =	simm.s32 $0x108;
	s8 =	sld [smem:$0x3FB1]  }
0x2e: {  	s3 =	simm.s32 @!p0 $0x1082;
	s9 =	sld [smem:$0x3FB2]  }
0x2f: {  	lr =	sadd.s32 s0, s3;
	s0 =	sld [smem:$0x3FA9]  }
0x30: {  	s3 =	sld [smem:$0x3FAC]  }
0x31: {  	[smem:$0x3FB5] =	sst s10  }
0x32: {  	s10 =	sld [smem:$0x3FB3];
	_ =	sdelay $0x3  }
0x33: {  	p0 =	seq.s32 s10, $0x1;
	s10 =	sld [smem:$0x3FB5];
	_ =	sdelay $0x3  }
0x34: {  	[smem:$0x3FB5] =	sst s10  }
0x35: {  	s10 =	sld [smem:$0x3FB4];
	_ =	sdelay $0x3  }
0x36: {  	p1 =	seq.s32 s10, $0x1;
	s10 =	sld [smem:$0x3FB5];
	_ =	sdelay $0x3  }
0x37: {  	[smem:$0x3FB5] =	sst s10  }
0x38: {  	s10 =	sld [smem:$0x3FB6]  }
0x39: {  	_ = 	snop;
	(pc) =	sbr.ind lr, $3  }
0x3a: {  	_ = 	snop  }
0x3b: {  	_ = 	snop  }
0x3c: {  	p2 =	seq.s32 s10, $0x1;
	s10 =	sld [smem:$0x3FB5]  }
0x3d: {  	_ =	shalt  }
0x3e: {  	_ =	shalt  }
0x3f: {  	_ =	shalt  }
0x40: {  	_ =	shalt  }
0x41: {  	_ =	shalt  }
0x42: {  	_ =	shalt  }
0x43: {  	_ =	shalt  }
0x44: {  	_ =	shalt  }
0x45: {  	_ =	shalt  }
0x46: {  	_ =	shalt  }
0x47: {  	_ =	shalt  }
0x48: {  	_ =	shalt  }
0x49: {  	_ =	shalt  }
0x4a: {  	_ =	shalt  }
0x4b: {  	_ =	shalt  }
0x4c: {  	_ =	shalt  }
0x4d: {  	_ =	shalt  }
0x4e: {  	_ =	shalt  }
0x4f: {  	_ =	shalt  }
0x50: {  	_ =	shalt  }
0x51: {  	_ =	shalt  }
0x52: {  	_ =	shalt  }
0x53: {  	_ =	shalt  }
0x54: {  	_ =	shalt  }
0x55: {  	_ =	shalt  }
0x56: {  	_ =	shalt  }
0x57: {  	_ =	shalt  }
0x58: {  	_ =	shalt  }
0x59: {  	_ =	shalt  }
0x5a: {  	_ =	shalt  }
0x5b: {  	_ =	shalt  }
0x5c: {  	_ =	shalt  }
0x5d: {  	_ =	shalt  }
0x5e: {  	_ =	shalt  }
0x5f: {  	_ =	shalt  }
0x60: {  	_ =	shalt  }
0x61: {  	_ =	shalt  }
0x62: {  	_ =	shalt  }
0x63: {  	_ =	shalt  }
0x64: {  	_ =	shalt  }
0x65: {  	_ =	shalt  }
0x66: {  	_ =	shalt  }
0x67: {  	_ =	shalt  }
0x68: {  	_ =	shalt  }
0x69: {  	_ =	shalt  }
0x6a: {  	_ =	shalt  }
0x6b: {  	_ =	shalt  }
0x6c: {  	_ =	shalt  }
0x6d: {  	_ =	shalt  }
0x6e: {  	_ =	shalt  }
0x6f: {  	_ =	shalt  }
0x70: {  	_ =	shalt  }
0x71: {  	_ =	shalt  }
0x72: {  	_ =	shalt  }
0x73: {  	_ =	shalt  }
0x74: {  	_ =	shalt  }
0x75: {  	_ =	shalt  }
0x76: {  	_ =	shalt  }
0x77: {  	_ =	shalt  }
0x78: {  	_ =	shalt  }
0x79: {  	_ =	shalt  }
0x7a: {  	_ =	shalt  }
0x7b: {  	_ =	shalt  }
0x7c: {  	_ =	shalt  }
0x7d: {  	_ =	shalt  }
0x7e: {  	_ =	shalt  }
0x7f: {  	_ =	shalt  }
0x80: {  	_ =	shalt  }
0x81: {  	_ =	shalt  }
0x82: {  	_ =	shalt  }
0x83: {  	_ =	shalt  }
0x84: {  	_ =	shalt  }
0x85: {  	_ =	shalt  }
0x86: {  	_ =	shalt  }
0x87: {  	_ =	shalt  }
.Lfunc_end0:
.L_simem_size_0:
called_computation_lowered:
.L_overlay_start_0:
0x88: {  	s2 =	sld [smem:$0x3FD9]  }
0x89: {  	s3 =	sld [smem:$0x3FFE];
	_ =	sdelay $0x1  }
0x8a: {  	s1 =	srdreg.scid  }
0x8b: {  	s0 =	sand.u32 $0x1, s1  }
0x8c: {  	s17 =	sshll.u32 s0, $0xA;
	s2 =	sadd.s32 s3, s2  }
0x8d: {  	s2 =	sadd.s32 s2, s17  }
0x8e: {  	[smem:$0x3FC1] =	sst s2  }
0x8f: {  	_ = 	snop  }
0x90: {  	s2 =	sld [smem:$0x3FC9]  }
0x91: {  	s18 =	sld [smem:$0x3FD0];
	(tm) =	ssettm $0x1  }
0x92: {  	s4 =	sld [smem:$0x3FFB];
	_ =	sdelay $0x3  }
0x93: {  	_ =	strace s4  }
0x94: {  	s4 =	sld [smem:$0x3FFC];
	_ =	sdelay $0x3  }
0x95: {  	_ =	strace s4  }
0x96: {  	s4 =	sld [smem:$0x3FFD];
	_ =	sdelay $0x3  }
0x97: {  	_ =	strace s4  }
0x98: {  	_ =	strace $0x8FFFFFFF  }
0x99: {  	s19 =	sld [smem:$0x3FDB];
	_ =	sdelay $0x1  }
0x9a: {  	s5 =	simm.s32 $_scs_section_size  }
0x9b: {  	s6 =	simm.s32 $_size__tile_overlayer_lowered;
	s7 =	simm.s32 $_tile_overlayer_lowered  }
0x9c: {  	s22 =	simm.s32 $0x1BFF;
	s21 =	sshll.u32 s7, $0x1;
	s4 =	sadd.s32 s5, s19  }
0x9d: {  	s8 =	simm.s32 $0x0;
	s20 =	sshll.u32 s6, $0x1;
	s6 =	sadd.s32 s21, s4  }
0x9e: {  	[timem:s8], [sflag:s22] =	dma.local [hbm:s6], s20  }
0x9f: {  	_ =	swait.ge [sflag:s22], s20  }
0xa0: {  	s5 =	ssub.s32 $0x0, s20;
	[sflag:s22] =	ssyncset.done $0x0  }
0xa1: {  	[sflag:s22] =	ssyncadd.s32 s5;
	_ =	sdelay $0x1  }
0xa2: {  	s23 =	simm.s32 $0x1B8B  }
0xa3: {  	_ =	swait.ge [sflag:s23], $0x1  }
0xa4: {  	[sflag:s23] =	ssyncset.done $0x0  }
0xa5: {  	s25 =	simm.s32 $0x1B8E;
	s24 =	sld [smem:$0x3FFE];
	[sflag:s23] =	ssyncadd.s32 $0xFFFFFFFF  }
0xa6: {  	s26 =	simm.s32 $execute0_lowered;
	[smem:$0x3FD2] =	sst s25  }
0xa7: {  	s6 =	sshll.u32 s26, $0x1;
	_ =	strace $0x80000046;
	[dreg:$0x1] =	wrdreg $0xFFFFFFFF  }
0xa8: {  	s28 =	simm.s32 $_size_execute0_lowered;
	s4 =	sadd.s32 s4, s6;
	[dreg:$0x0] =	wrdreg $0x0  }
0xa9: {  	s6 =	sshll.u32 s28, $0x1;
	[dreg:$0x2] =	wrdreg s4  }
0xaa: {  	[dreg:$0x3] =	wrdreg s6  }
0xab: {  	[dreg:$0x4] =	wrdreg $0xC0  }
0xac: {  	_ =	task [dreg:s8], $0x5FFFF  }
0xad: {  	[dreg:$0x1] =	wrdreg $0xFFFFFFFF  }
0xae: {  	[dreg:$0x0] =	wrdreg $0x60  }
0xaf: {  	[dreg:$0x2] =	wrdreg s18  }
0xb0: {  	[dreg:$0x3] =	wrdreg s24  }
0xb1: {  	[dreg:$0x4] =	wrdreg s2  }
0xb2: {  	[dreg:$0x5] =	wrdreg $0x9  }
0xb3: {  	_ =	task.clear_ibuf [dreg:s8], $0x6FFFF;
	_ =	strace $0x90000046  }
0xb4: {  	s29 =	simm.s32 $0x9;
	_ =	strace $0x80000048  }
0xb5: {  	_ =	swait.ge [sflag:s29], $0x1  }
0xb6: {  	[sflag:s29] =	ssyncadd.s32 $0xFFFFFFFF  }
0xb7: {  	_ =	strace $0x90000048  }
0xb8: {  	_ =	sfence  }
0xb9: {  	s30 =	sld [smem:$0x0];
	_ =	sdelay $0x2  }
0xba: {  	s31 =	sshll.u32 s1, $0xD;
	s1 =	sshrl.u32 s1, $0x2  }
0xbb: {  	s3 =	sand.u32 $0x4000, s31;
	s1 =	sadd.s32 s1, s30  }
0xbc: {  	s0 =	sor.u32 s3, s0;
	s1 =	sshll.u32 s1, $0x11  }
0xbd: {  	s0 =	sor.u32 s1, s0  }
0xbe: {  	s0 =	sadd.s32 $0x8F2B, s0  }
0xbf: {  	[sflag:s0] =	ssyncadd.remote.s32 $0x1  }
0xc0: {  	_ =	sfence.sel $0xFFFF  }
0xc1: {  	[dreg:$0x0] =	wrdreg $0xFFFFFFFF;
	(pc) =	sbr.abs _section_cstart, $3  }
0xc2: {  	[dreg:$0x1] =	wrdreg $0xFFFFFFFF  }
0xc3: {  	_ =	task.clear_ibuf [dreg:s8], $0x2FFFF;
	_ =	strace $0x9FFFFFFF  }
0xc4: {  	(tm) =	ssettm $0x7FFFFFFF  }
0xc5: {  	_ =	shalt  }
tec
execute0_lowered:
.L_overlay_start_1:
0x0: {  	(tag) =	ssettag $0x1  }
0x1: {  	s1 =	srdreg.scid;
	s0 =	stileid.u32  }
0x2: {  	s13 =	sand.u32 $0x1, s1;
	s5 =	sshll.u32 s0, $0x1  }
0x3: {  	s11 =	sor.u32 s13, s5  }
0x4: {  	p0 =	sgt.u32 s11, $0x18  }
.Ltmp0:
0x5: {  	s2 =	rddreg [dreg:$0x0];
	(pc) =	sbr.rel @p0 .LBB2_4-.Ltmp0, $4  }
0x6: {  	s12 =	rddreg [dreg:$0x1]  }
0x7: {  	s4 =	rddreg [dreg:$0x2];
	s3 =	simm.s32 $0x0  }
0x8: {  	[smem:$0x7FF] =	sst s3  }
0x9: {  	s1 =	rddreg [dreg:$0x3];
	_ =	strace $0x80000047  }
0xa: {  	s5 =	smul.u32 $0x32, s11;
	_ =	sdelay $0x1  }
0xb: {  	s5 =	sadd.s32 s4, s5;
	s4 =	simm.s32 $0x3  }
0xc: {  	[tilespmem:s3], [sflag:$0x3] =	stream.linear.gather [hbm4b:s5+s3], $0x190, $0x38;
	[tilespmem:$0x19200] =	vst v63  }
0xd: {  	_ =	swait.ge [sflag:s4], $0x190  }
0xe: {  	[sflag:s4] =	ssyncset.done $0x0  }
0xf: {  	s6 =	simm.s32 $0x190;
	s7 =	simm.s32 $0x200;
	[sflag:s4] =	ssyncadd.s32 $0xFFFFFE70  }
0x10: {  	[tilespmem:s7], [sflag:$0x1] =	stream.indirect.gather [hbm4b:s2+s6], $0x80, s3, s6, $0xb8;
	[tilespmem:$0x19200] =	vst v63  }
0x11: {  	s8 =	sadd.s32 $0x1800, s12;
	s9 =	simm.s32 $0xCA00;
	s10 =	simm.s32 $0x1  }
0x12: {  	[tilespmem:s9], [sflag:$0x2] =	stream.indirect.gather [hbm4b:s8+s6], $0x80, s3, s6, $0xb8;
	[tilespmem:$0x19200] =	vst v63  }
0x13: {  	_ =	swait.ge [sflag:s10], $0xC800  }
0x14: {  	s14 =	smul.u32 $0x1900, s11;
	[sflag:s10] =	ssyncset.done $0x0  }
0x15: {  	s11 =	simm.s32 $0x2;
	s13 =	ssub.s32 $0x2, s13;
	[sflag:s10] =	ssyncadd.s32 $0xFFFF3800  }
0x16: {  	s15 =	sshrl.u32 s13, $0x1;
	_ =	swait.ge [sflag:s11], $0xC800  }
0x17: {  	s14 =	sadd.s32 s14, s12;
	s15 =	ssub.s32 s13, s15;
	[sflag:s11] =	ssyncset.done $0x0  }
0x18: {  	s12 =	sadd.s32 $0x28A00, s14;
	s31 =	smax.u32 s15, $0x1;
	[sflag:s11] =	ssyncadd.s32 $0xFFFF3800  }
0x19: {  	[hbm4b:s12+s3] =	stream.linear.scatter [tilespmem:s7], [sflag:$0x3], $0xC800, $0x38;
	[tilespmem:$0x19200] =	vst v63  }
0x1a: {  	p0 =	sne.s32 s31, $0x1;
	_ =	swait.ge [sflag:s4], $0xC800  }
.Ltmp1:
0x1b: {  	[sflag:s4] =	ssyncset.done $0x0;
	(pc) =	sbr.rel @!p0 .LBB2_3-.Ltmp1, $4  }
0x1c: {  	s13 =	sadd.s32 $0x4FC00, s14;
	[sflag:s4] =	ssyncadd.s32 $0xFFFF3800  }
0x1d: {  	[hbm4b:s13+s3] =	stream.linear.scatter [tilespmem:s9], [sflag:$0x3], $0xC800, $0x38;
	[tilespmem:$0x19200] =	vst v63  }
0x1e: {  	_ =	swait.ge [sflag:s4], $0xC800  }
0x1f: {  	s14 =	sadd.s32 $0xFFFFFFFF, s31;
	[sflag:s4] =	ssyncset.done $0x0  }
.LBB2_2:
0x20: {  	p0 =	sne.s32 s14, $0x1;
	s14 =	sadd.s32 $0xFFFFFFFF, s14;
	[sflag:s4] =	ssyncadd.s32 $0xFFFF3800  }
0x21: {  	[tilespmem:s3], [sflag:$0x3] =	stream.linear.gather [hbm4b:s5+s3], $0x190, $0x38;
	[tilespmem:$0x19200] =	vst v63  }
0x22: {  	_ =	swait.ge [sflag:s4], $0x190  }
0x23: {  	[sflag:s4] =	ssyncset.done $0x0  }
0x24: {  	[sflag:s4] =	ssyncadd.s32 $0xFFFFFE70  }
0x25: {  	[tilespmem:s7], [sflag:$0x1] =	stream.indirect.gather [hbm4b:s2+s6], $0x80, s3, s6, $0xb8;
	[tilespmem:$0x19200] =	vst v63  }
0x26: {  	_ = 	snop  }
0x27: {  	[tilespmem:s9], [sflag:$0x2] =	stream.indirect.gather [hbm4b:s8+s6], $0x80, s3, s6, $0xb8;
	[tilespmem:$0x19200] =	vst v63  }
0x28: {  	_ =	swait.ge [sflag:s10], $0xC800  }
0x29: {  	[sflag:s10] =	ssyncset.done $0x0  }
0x2a: {  	[sflag:s10] =	ssyncadd.s32 $0xFFFF3800  }
0x2b: {  	_ =	swait.ge [sflag:s11], $0xC800  }
0x2c: {  	[sflag:s11] =	ssyncset.done $0x0  }
0x2d: {  	[sflag:s11] =	ssyncadd.s32 $0xFFFF3800  }
0x2e: {  	[hbm4b:s12+s3] =	stream.linear.scatter [tilespmem:s7], [sflag:$0x3], $0xC800, $0x38;
	[tilespmem:$0x19200] =	vst v63  }
0x2f: {  	_ =	swait.ge [sflag:s4], $0xC800  }
.Ltmp2:
0x30: {  	[sflag:s4] =	ssyncset.done $0x0;
	(pc) =	sbr.rel @p0 .LBB2_2-.Ltmp2, $4  }
0x31: {  	[sflag:s4] =	ssyncadd.s32 $0xFFFF3800  }
0x32: {  	[hbm4b:s13+s3] =	stream.linear.scatter [tilespmem:s9], [sflag:$0x3], $0xC800, $0x38;
	[tilespmem:$0x19200] =	vst v63  }
0x33: {  	_ =	swait.ge [sflag:s4], $0xC800  }
0x34: {  	[sflag:s4] =	ssyncset.done $0x0  }
.LBB2_3:
0x35: {  	[sflag:s4] =	ssyncadd.s32 $0xFFFF3800  }
.LBB2_4:
0x36: {  	_ =	sfence.sel $0x180000  }
0x37: {  	[bflag:$0x0] =	sbarrier.arrive $0xFFFF  }
0x38: {  	p0 =	sne.s32 s0, $0x0;
	_ =	strace $0x90000047  }
0x39: {  	s0 =	sadd.s32 @!p0 $0x100000, s1;
	[bflag:$0x2] =	sbarrier.arrive $0xFFFF  }
0x3a: {  	[sflag:s0] =	ssyncadd.tile.s32 @!p0 $0x1;
	_ =	shalt  }
.Lfunc_end2:
_tile_overlayer_lowered:
.L_overlay_start_2:
0x3b: {  	(tag) =	ssettag $0x2  }
0x3c: {  	s0 =	rddreg [dreg:$0x0];
	s2 =	stileid.u32  }
0x3d: {  	s1 =	rddreg [dreg:$0x1];
	p0 =	sne.s32 s2, $0x0  }
0x3e: {  	s3 =	rddreg [dreg:$0x2];
	[bflag:$0x3] =	sbarrier.arrive $0xFFFF;
	s2 =	simm.s32 @!p0 $0x1C03  }
0x3f: {  	[timem:s3], [sflag:s2] =	dma.local @!p0 [hbm:s0], s1  }
0x40: {  	s0 =	simm.s32 @!p0 $0x3  }
0x41: {  	_ =	swait.ge @!p0 [sflag:s0], s1  }
0x42: {  	s1 =	ssub.s32 @!p0 $0x0, s1;
	[sflag:s0] =	ssyncset.done @!p0 $0x0  }
0x43: {  	[sflag:s0] =	ssyncadd.s32 @!p0 s1  }
0x44: {  	[bflag:$0x3] =	sbarrier.arrive $0xFFFF  }
0x45: {  	_ =	shalt  }

</sc_bundles>
